<compile_context>
chip_gen: v7x
topology: tpu7x:2x2x1
jax: 0.10.2.dev20260603
libtpu: 0.0.44.dev20260713+nightly
codegen_flags: <defaults>
</compile_context>

<pallas_src>
import functools

import jax
import jax.numpy as jnp
from jax import lax
from jax.experimental import pallas as pl
from jax.experimental.pallas import tpu as pltpu
from jax.experimental.pallas import tpu_sc as plsc

NUM_POSES = 1000
EMBED_DIM = 128
BATCH = 16384

NC = 2
NS = 16
NW = NC * NS
B_PER_W = BATCH // NW
CHUNKS = (128, 128, 128, 128)
NCHUNK = len(CHUNKS)
OFFSETS = tuple(sum(CHUNKS[:i]) for i in range(NCHUNK))
STAGE_ROWS = 64
LAST_STAGE_ROW = NUM_POSES - STAGE_ROWS


def _make_gather():
    mesh = plsc.VectorSubcoreMesh(core_axis_name="c", subcore_axis_name="s")

    @functools.partial(
        pl.kernel,
        mesh=mesh,
        out_type=jax.ShapeDtypeStruct((BATCH, EMBED_DIM), jnp.float32),
        scratch_types=[
            pltpu.VMEM_SHARED((NUM_POSES, EMBED_DIM), jnp.float32),
            pltpu.VMEM((B_PER_W,), jnp.int32),
            [pltpu.VMEM((c, EMBED_DIM), jnp.float32) for c in CHUNKS],
            pltpu.SemaphoreType.DMA,
            pltpu.SemaphoreType.DMA,
            pltpu.SemaphoreType.DMA,
        ],
    )
    def gather_kernel(x_hbm, table_hbm, out_hbm, tab_s, idx_v, bufs,
                      isem, gsem, wsem):
        sid = lax.axis_index("s")
        wid = sid * NC + lax.axis_index("c")
        base = wid * B_PER_W

        idx_cp = pltpu.async_copy(x_hbm.at[pl.ds(base, B_PER_W)], idx_v, isem)

        r0 = pl.multiple_of(jnp.minimum(sid * STAGE_ROWS, LAST_STAGE_ROW), 8)
        pltpu.sync_copy(table_hbm.at[pl.ds(r0, STAGE_ROWS)],
                        tab_s.at[pl.ds(r0, STAGE_ROWS)])

        idx_cp.wait()
        plsc.subcore_barrier()
        gathers = []
        for c in range(NCHUNK):
            gathers.append(pltpu.async_copy(
                tab_s.at[idx_v.at[pl.ds(OFFSETS[c], CHUNKS[c])]],
                bufs[c], gsem))
        writes = []
        for c in range(NCHUNK):
            gathers[c].wait()
            writes.append(pltpu.async_copy(
                bufs[c],
                out_hbm.at[pl.ds(base + OFFSETS[c], CHUNKS[c])], wsem))
        for w in writes:
            w.wait()

    return gather_kernel


_gather = jax.jit(_make_gather())


def kernel(x, table):
    return _gather(x, table)

# --- scband reference (transcript-rebuilt; emitter-appended) ---
"""Pipeline reference for scband-frame-embedding-55113020342940 (READ-ONLY COPY).

The authoritative reference and input builder live on the scoring server;
editing this copy changes nothing except your own understanding.
"""

import jax, jax.numpy as jnp
import numpy as np

NUM_POSES = 1000
EMBED_DIM = 128
BATCH = 16384


def setup_inputs(seed: int = 0) -> dict:
    key = jax.random.key(seed)
    k_idx, k_tab = jax.random.split(key)
    # forward arg (mode='index' default): integer frame indices
    x = jax.random.randint(k_idx, (BATCH,), 0, NUM_POSES, dtype=jnp.int32)
    # learned parameter: embedding table sized (len(poses), embed_a_len)
    table = jax.random.normal(k_tab, (NUM_POSES, EMBED_DIM), dtype=jnp.float32)
    return {"x": x, "table": table}


def reference(x, table):
    # FrameEmbedding.forward(x, mode='index') -> self.sample_index(x) -> embedding_a(x)
    return jnp.take(table, x, axis=0)

if __name__ == "__main__":
    import jax
    _d = setup_inputs()
    print(jax.jit(kernel)(*tuple(_d.values())))

</pallas_src>

<mosaic_0001>
#map = affine_map<(d0, d1) -> (0)>
#map1 = affine_map<(d0, d1) -> (0, 0)>
module attributes {stable_mosaic.version = 14 : i64} {
  func.func @gather_kernel(%arg0: i32, %arg1: i32, %arg2: memref<16384xi32, #tpu.memory_space<hbm>>, %arg3: memref<1000x128xf32, #tpu.memory_space<hbm>>, %arg4: memref<16384x128xf32, #tpu.memory_space<hbm>>, %arg5: memref<1000x128xf32, #tpu.memory_space<vmem_shared>>, %arg6: memref<512xi32, #tpu.memory_space<vmem>>, %arg7: memref<128x128xf32, #tpu.memory_space<vmem>>, %arg8: memref<128x128xf32, #tpu.memory_space<vmem>>, %arg9: memref<128x128xf32, #tpu.memory_space<vmem>>, %arg10: memref<128x128xf32, #tpu.memory_space<vmem>>, %arg11: memref<!tpu.dma_semaphore, #tpu.memory_space<semaphore_mem>>, %arg12: memref<!tpu.dma_semaphore, #tpu.memory_space<semaphore_mem>>, %arg13: memref<!tpu.dma_semaphore, #tpu.memory_space<semaphore_mem>>) attributes {dimension_semantics = [#tpu.dimension_semantics<core_parallel>, #tpu.dimension_semantics<subcore_parallel>], iteration_bounds = array<i64: 2, 16>, scalar_prefetch = 0 : i64, scratch_operands = 9 : i64, tpu.core_type = #tpu.core_type<sc_vector_subcore>, window_params = [{transform_indices = #map}, {transform_indices = #map1}, {transform_indices = #map1}]} {
    %mul3A = arith.constant 2 : i32
    %mul3A_0 = arith.muli %arg1, %mul3A : i32
    %add3A = arith.addi %mul3A_0, %arg0 : i32
    %mul3A_1 = arith.constant 512 : i32
    %mul3A_2 = arith.muli %add3A, %mul3A_1 : i32
    %dma_start3A = tpu.memref_slice %arg2[%mul3A_2] : memref<16384xi32, #tpu.memory_space<hbm>> -> memref<512xi32, #tpu.memory_space<hbm>>
    %dma_start3A_3 = tpu.memref_slice %arg2[%mul3A_2] : memref<16384xi32, #tpu.memory_space<hbm>> -> memref<512xi32, #tpu.memory_space<hbm>>
    tpu.enqueue_dma source(%dma_start3A_3 : memref<512xi32, #tpu.memory_space<hbm>>) target(%arg6 : memref<512xi32, #tpu.memory_space<vmem>>) target_semaphore(%arg11 : memref<!tpu.dma_semaphore, #tpu.memory_space<semaphore_mem>>)
    %mul3A_4 = arith.constant 64 : i32
    %mul3A_5 = arith.muli %arg1, %mul3A_4 : i32
    %min3A = arith.constant 936 : i32
    %min3A_6 = arith.minsi %mul3A_5, %min3A : i32
    %multiple_of3A = tpu.assume_multiple %min3A_6, 8 : i32
    "tpu.region"() ({
      %run_scoped3A = tpu.sem_alloc : memref<!tpu.dma_semaphore, #tpu.memory_space<semaphore_mem>>
      %dma_start3A_88 = arith.constant 0 : i32
      %dma_start3A_89 = tpu.memref_slice %arg5[%multiple_of3A, %dma_start3A_88] : memref<1000x128xf32, #tpu.memory_space<vmem_shared>> -> memref<64x128xf32, #tpu.memory_space<vmem_shared>>
      %dma_start3A_90 = arith.constant 0 : i32
      %dma_start3A_91 = tpu.memref_slice %arg3[%multiple_of3A, %dma_start3A_90] : memref<1000x128xf32, #tpu.memory_space<hbm>> -> memref<64x128xf32, #tpu.memory_space<hbm>>
      tpu.enqueue_dma source(%dma_start3A_91 : memref<64x128xf32, #tpu.memory_space<hbm>>) target(%dma_start3A_89 : memref<64x128xf32, #tpu.memory_space<vmem_shared>>) target_semaphore(%run_scoped3A : memref<!tpu.dma_semaphore, #tpu.memory_space<semaphore_mem>>)
      %dma_wait3A_92 = arith.constant 0 : i32
      %dma_wait3A_93 = tpu.memref_slice %arg5[%multiple_of3A, %dma_wait3A_92] : memref<1000x128xf32, #tpu.memory_space<vmem_shared>> -> memref<64x128xf32, #tpu.memory_space<vmem_shared>>
      %dma_wait3A_94 = arith.constant 0 : i32
      %dma_wait3A_95 = tpu.memref_slice %arg3[%multiple_of3A, %dma_wait3A_94] : memref<1000x128xf32, #tpu.memory_space<hbm>> -> memref<64x128xf32, #tpu.memory_space<hbm>>
      tpu.wait_dma2 semaphore(%run_scoped3A : memref<!tpu.dma_semaphore, #tpu.memory_space<semaphore_mem>>) src(%dma_wait3A_95 : memref<64x128xf32, #tpu.memory_space<hbm>>) dst(%dma_wait3A_93 : memref<64x128xf32, #tpu.memory_space<vmem_shared>>)
      tpu.yield
    }) : () -> ()
    %dma_wait3A = tpu.memref_slice %arg2[%mul3A_2] : memref<16384xi32, #tpu.memory_space<hbm>> -> memref<512xi32, #tpu.memory_space<hbm>>
    %dma_wait3A_7 = tpu.memref_slice %arg2[%mul3A_2] : memref<16384xi32, #tpu.memory_space<hbm>> -> memref<512xi32, #tpu.memory_space<hbm>>
    tpu.wait_dma2 semaphore(%arg11 : memref<!tpu.dma_semaphore, #tpu.memory_space<semaphore_mem>>) src(%dma_wait3A_7 : memref<512xi32, #tpu.memory_space<hbm>>) dst(%arg6 : memref<512xi32, #tpu.memory_space<vmem>>)
    %barrier3A = arith.constant 0 : index
    tpu.barrier barrier_id(%barrier3A)
    %dma_start3A_8 = arith.constant 0 : i32
    %dma_start3A_9 = tpu.memref_slice %arg6[%dma_start3A_8] : memref<512xi32, #tpu.memory_space<vmem>> -> memref<128xi32, #tpu.memory_space<vmem>>
    %dma_start3A_10 = arith.constant 0 : i32
    %dma_start3A_11 = arith.constant 0 : i32
    %dma_start3A_12 = tpu.memref_slice %arg5[%dma_start3A_10, %dma_start3A_11] : memref<1000x128xf32, #tpu.memory_space<vmem_shared>> -> memref<1000x128xf32, #tpu.memory_space<vmem_shared>>
    tpu.enqueue_indirect_dma source(%dma_start3A_12 : memref<1000x128xf32, #tpu.memory_space<vmem_shared>>) target(%arg7 : memref<128x128xf32, #tpu.memory_space<vmem>>) offsets(%dma_start3A_9 : memref<128xi32, #tpu.memory_space<vmem>>) semaphore(%arg12 : memref<!tpu.dma_semaphore, #tpu.memory_space<semaphore_mem>>)
    %dma_start3A_13 = arith.constant 128 : i32
    %dma_start3A_14 = tpu.memref_slice %arg6[%dma_start3A_13] : memref<512xi32, #tpu.memory_space<vmem>> -> memref<128xi32, #tpu.memory_space<vmem>>
    %dma_start3A_15 = arith.constant 0 : i32
    %dma_start3A_16 = arith.constant 0 : i32
    %dma_start3A_17 = tpu.memref_slice %arg5[%dma_start3A_15, %dma_start3A_16] : memref<1000x128xf32, #tpu.memory_space<vmem_shared>> -> memref<1000x128xf32, #tpu.memory_space<vmem_shared>>
    tpu.enqueue_indirect_dma source(%dma_start3A_17 : memref<1000x128xf32, #tpu.memory_space<vmem_shared>>) target(%arg8 : memref<128x128xf32, #tpu.memory_space<vmem>>) offsets(%dma_start3A_14 : memref<128xi32, #tpu.memory_space<vmem>>) semaphore(%arg12 : memref<!tpu.dma_semaphore, #tpu.memory_space<semaphore_mem>>)
    %dma_start3A_18 = arith.constant 256 : i32
    %dma_start3A_19 = tpu.memref_slice %arg6[%dma_start3A_18] : memref<512xi32, #tpu.memory_space<vmem>> -> memref<128xi32, #tpu.memory_space<vmem>>
    %dma_start3A_20 = arith.constant 0 : i32
    %dma_start3A_21 = arith.constant 0 : i32
    %dma_start3A_22 = tpu.memref_slice %arg5[%dma_start3A_20, %dma_start3A_21] : memref<1000x128xf32, #tpu.memory_space<vmem_shared>> -> memref<1000x128xf32, #tpu.memory_space<vmem_shared>>
    tpu.enqueue_indirect_dma source(%dma_start3A_22 : memref<1000x128xf32, #tpu.memory_space<vmem_shared>>) target(%arg9 : memref<128x128xf32, #tpu.memory_space<vmem>>) offsets(%dma_start3A_19 : memref<128xi32, #tpu.memory_space<vmem>>) semaphore(%arg12 : memref<!tpu.dma_semaphore, #tpu.memory_space<semaphore_mem>>)
    %dma_start3A_23 = arith.constant 384 : i32
    %dma_start3A_24 = tpu.memref_slice %arg6[%dma_start3A_23] : memref<512xi32, #tpu.memory_space<vmem>> -> memref<128xi32, #tpu.memory_space<vmem>>
    %dma_start3A_25 = arith.constant 0 : i32
    %dma_start3A_26 = arith.constant 0 : i32
    %dma_start3A_27 = tpu.memref_slice %arg5[%dma_start3A_25, %dma_start3A_26] : memref<1000x128xf32, #tpu.memory_space<vmem_shared>> -> memref<1000x128xf32, #tpu.memory_space<vmem_shared>>
    tpu.enqueue_indirect_dma source(%dma_start3A_27 : memref<1000x128xf32, #tpu.memory_space<vmem_shared>>) target(%arg10 : memref<128x128xf32, #tpu.memory_space<vmem>>) offsets(%dma_start3A_24 : memref<128xi32, #tpu.memory_space<vmem>>) semaphore(%arg12 : memref<!tpu.dma_semaphore, #tpu.memory_space<semaphore_mem>>)
    %dma_wait3A_28 = arith.constant 0 : i32
    %dma_wait3A_29 = tpu.memref_slice %arg6[%dma_wait3A_28] : memref<512xi32, #tpu.memory_space<vmem>> -> memref<128xi32, #tpu.memory_space<vmem>>
    %dma_wait3A_30 = arith.constant 0 : i32
    %dma_wait3A_31 = arith.constant 0 : i32
    %dma_wait3A_32 = tpu.memref_slice %arg5[%dma_wait3A_30, %dma_wait3A_31] : memref<1000x128xf32, #tpu.memory_space<vmem_shared>> -> memref<1000x128xf32, #tpu.memory_space<vmem_shared>>
    tpu.wait_indirect_dma semaphore(%arg12 : memref<!tpu.dma_semaphore, #tpu.memory_space<semaphore_mem>>) src(%dma_wait3A_32 : memref<1000x128xf32, #tpu.memory_space<vmem_shared>>) dst(%arg7 : memref<128x128xf32, #tpu.memory_space<vmem>>)
    %add3A_33 = arith.constant 0 : i32
    %add3A_34 = arith.addi %mul3A_2, %add3A_33 : i32
    %dma_start3A_35 = arith.constant 0 : i32
    %dma_start3A_36 = tpu.memref_slice %arg4[%add3A_34, %dma_start3A_35] : memref<16384x128xf32, #tpu.memory_space<hbm>> -> memref<128x128xf32, #tpu.memory_space<hbm>>
    %dma_start3A_37 = arith.constant 0 : i32
    %dma_start3A_38 = tpu.memref_slice %arg4[%add3A_34, %dma_start3A_37] : memref<16384x128xf32, #tpu.memory_space<hbm>> -> memref<128x128xf32, #tpu.memory_space<hbm>>
    tpu.enqueue_dma source(%arg7 : memref<128x128xf32, #tpu.memory_space<vmem>>) target(%dma_start3A_38 : memref<128x128xf32, #tpu.memory_space<hbm>>) target_semaphore(%arg13 : memref<!tpu.dma_semaphore, #tpu.memory_space<semaphore_mem>>)
    %dma_wait3A_39 = arith.constant 128 : i32
    %dma_wait3A_40 = tpu.memref_slice %arg6[%dma_wait3A_39] : memref<512xi32, #tpu.memory_space<vmem>> -> memref<128xi32, #tpu.memory_space<vmem>>
    %dma_wait3A_41 = arith.constant 0 : i32
    %dma_wait3A_42 = arith.constant 0 : i32
    %dma_wait3A_43 = tpu.memref_slice %arg5[%dma_wait3A_41, %dma_wait3A_42] : memref<1000x128xf32, #tpu.memory_space<vmem_shared>> -> memref<1000x128xf32, #tpu.memory_space<vmem_shared>>
    tpu.wait_indirect_dma semaphore(%arg12 : memref<!tpu.dma_semaphore, #tpu.memory_space<semaphore_mem>>) src(%dma_wait3A_43 : memref<1000x128xf32, #tpu.memory_space<vmem_shared>>) dst(%arg8 : memref<128x128xf32, #tpu.memory_space<vmem>>)
    %add3A_44 = arith.constant 128 : i32
    %add3A_45 = arith.addi %mul3A_2, %add3A_44 : i32
    %dma_start3A_46 = arith.constant 0 : i32
    %dma_start3A_47 = tpu.memref_slice %arg4[%add3A_45, %dma_start3A_46] : memref<16384x128xf32, #tpu.memory_space<hbm>> -> memref<128x128xf32, #tpu.memory_space<hbm>>
    %dma_start3A_48 = arith.constant 0 : i32
    %dma_start3A_49 = tpu.memref_slice %arg4[%add3A_45, %dma_start3A_48] : memref<16384x128xf32, #tpu.memory_space<hbm>> -> memref<128x128xf32, #tpu.memory_space<hbm>>
    tpu.enqueue_dma source(%arg8 : memref<128x128xf32, #tpu.memory_space<vmem>>) target(%dma_start3A_49 : memref<128x128xf32, #tpu.memory_space<hbm>>) target_semaphore(%arg13 : memref<!tpu.dma_semaphore, #tpu.memory_space<semaphore_mem>>)
    %dma_wait3A_50 = arith.constant 256 : i32
    %dma_wait3A_51 = tpu.memref_slice %arg6[%dma_wait3A_50] : memref<512xi32, #tpu.memory_space<vmem>> -> memref<128xi32, #tpu.memory_space<vmem>>
    %dma_wait3A_52 = arith.constant 0 : i32
    %dma_wait3A_53 = arith.constant 0 : i32
    %dma_wait3A_54 = tpu.memref_slice %arg5[%dma_wait3A_52, %dma_wait3A_53] : memref<1000x128xf32, #tpu.memory_space<vmem_shared>> -> memref<1000x128xf32, #tpu.memory_space<vmem_shared>>
    tpu.wait_indirect_dma semaphore(%arg12 : memref<!tpu.dma_semaphore, #tpu.memory_space<semaphore_mem>>) src(%dma_wait3A_54 : memref<1000x128xf32, #tpu.memory_space<vmem_shared>>) dst(%arg9 : memref<128x128xf32, #tpu.memory_space<vmem>>)
    %add3A_55 = arith.constant 256 : i32
    %add3A_56 = arith.addi %mul3A_2, %add3A_55 : i32
    %dma_start3A_57 = arith.constant 0 : i32
    %dma_start3A_58 = tpu.memref_slice %arg4[%add3A_56, %dma_start3A_57] : memref<16384x128xf32, #tpu.memory_space<hbm>> -> memref<128x128xf32, #tpu.memory_space<hbm>>
    %dma_start3A_59 = arith.constant 0 : i32
    %dma_start3A_60 = tpu.memref_slice %arg4[%add3A_56, %dma_start3A_59] : memref<16384x128xf32, #tpu.memory_space<hbm>> -> memref<128x128xf32, #tpu.memory_space<hbm>>
    tpu.enqueue_dma source(%arg9 : memref<128x128xf32, #tpu.memory_space<vmem>>) target(%dma_start3A_60 : memref<128x128xf32, #tpu.memory_space<hbm>>) target_semaphore(%arg13 : memref<!tpu.dma_semaphore, #tpu.memory_space<semaphore_mem>>)
    %dma_wait3A_61 = arith.constant 384 : i32
    %dma_wait3A_62 = tpu.memref_slice %arg6[%dma_wait3A_61] : memref<512xi32, #tpu.memory_space<vmem>> -> memref<128xi32, #tpu.memory_space<vmem>>
    %dma_wait3A_63 = arith.constant 0 : i32
    %dma_wait3A_64 = arith.constant 0 : i32
    %dma_wait3A_65 = tpu.memref_slice %arg5[%dma_wait3A_63, %dma_wait3A_64] : memref<1000x128xf32, #tpu.memory_space<vmem_shared>> -> memref<1000x128xf32, #tpu.memory_space<vmem_shared>>
    tpu.wait_indirect_dma semaphore(%arg12 : memref<!tpu.dma_semaphore, #tpu.memory_space<semaphore_mem>>) src(%dma_wait3A_65 : memref<1000x128xf32, #tpu.memory_space<vmem_shared>>) dst(%arg10 : memref<128x128xf32, #tpu.memory_space<vmem>>)
    %add3A_66 = arith.constant 384 : i32
    %add3A_67 = arith.addi %mul3A_2, %add3A_66 : i32
    %dma_start3A_68 = arith.constant 0 : i32
    %dma_start3A_69 = tpu.memref_slice %arg4[%add3A_67, %dma_start3A_68] : memref<16384x128xf32, #tpu.memory_space<hbm>> -> memref<128x128xf32, #tpu.memory_space<hbm>>
    %dma_start3A_70 = arith.constant 0 : i32
    %dma_start3A_71 = tpu.memref_slice %arg4[%add3A_67, %dma_start3A_70] : memref<16384x128xf32, #tpu.memory_space<hbm>> -> memref<128x128xf32, #tpu.memory_space<hbm>>
    tpu.enqueue_dma source(%arg10 : memref<128x128xf32, #tpu.memory_space<vmem>>) target(%dma_start3A_71 : memref<128x128xf32, #tpu.memory_space<hbm>>) target_semaphore(%arg13 : memref<!tpu.dma_semaphore, #tpu.memory_space<semaphore_mem>>)
    %dma_wait3A_72 = arith.constant 0 : i32
    %dma_wait3A_73 = tpu.memref_slice %arg4[%add3A_34, %dma_wait3A_72] : memref<16384x128xf32, #tpu.memory_space<hbm>> -> memref<128x128xf32, #tpu.memory_space<hbm>>
    %dma_wait3A_74 = arith.constant 0 : i32
    %dma_wait3A_75 = tpu.memref_slice %arg4[%add3A_34, %dma_wait3A_74] : memref<16384x128xf32, #tpu.memory_space<hbm>> -> memref<128x128xf32, #tpu.memory_space<hbm>>
    tpu.wait_dma2 semaphore(%arg13 : memref<!tpu.dma_semaphore, #tpu.memory_space<semaphore_mem>>) src(%arg7 : memref<128x128xf32, #tpu.memory_space<vmem>>) dst(%dma_wait3A_75 : memref<128x128xf32, #tpu.memory_space<hbm>>)
    %dma_wait3A_76 = arith.constant 0 : i32
    %dma_wait3A_77 = tpu.memref_slice %arg4[%add3A_45, %dma_wait3A_76] : memref<16384x128xf32, #tpu.memory_space<hbm>> -> memref<128x128xf32, #tpu.memory_space<hbm>>
    %dma_wait3A_78 = arith.constant 0 : i32
    %dma_wait3A_79 = tpu.memref_slice %arg4[%add3A_45, %dma_wait3A_78] : memref<16384x128xf32, #tpu.memory_space<hbm>> -> memref<128x128xf32, #tpu.memory_space<hbm>>
    tpu.wait_dma2 semaphore(%arg13 : memref<!tpu.dma_semaphore, #tpu.memory_space<semaphore_mem>>) src(%arg8 : memref<128x128xf32, #tpu.memory_space<vmem>>) dst(%dma_wait3A_79 : memref<128x128xf32, #tpu.memory_space<hbm>>)
    %dma_wait3A_80 = arith.constant 0 : i32
    %dma_wait3A_81 = tpu.memref_slice %arg4[%add3A_56, %dma_wait3A_80] : memref<16384x128xf32, #tpu.memory_space<hbm>> -> memref<128x128xf32, #tpu.memory_space<hbm>>
    %dma_wait3A_82 = arith.constant 0 : i32
    %dma_wait3A_83 = tpu.memref_slice %arg4[%add3A_56, %dma_wait3A_82] : memref<16384x128xf32, #tpu.memory_space<hbm>> -> memref<128x128xf32, #tpu.memory_space<hbm>>
    tpu.wait_dma2 semaphore(%arg13 : memref<!tpu.dma_semaphore, #tpu.memory_space<semaphore_mem>>) src(%arg9 : memref<128x128xf32, #tpu.memory_space<vmem>>) dst(%dma_wait3A_83 : memref<128x128xf32, #tpu.memory_space<hbm>>)
    %dma_wait3A_84 = arith.constant 0 : i32
    %dma_wait3A_85 = tpu.memref_slice %arg4[%add3A_67, %dma_wait3A_84] : memref<16384x128xf32, #tpu.memory_space<hbm>> -> memref<128x128xf32, #tpu.memory_space<hbm>>
    %dma_wait3A_86 = arith.constant 0 : i32
    %dma_wait3A_87 = tpu.memref_slice %arg4[%add3A_67, %dma_wait3A_86] : memref<16384x128xf32, #tpu.memory_space<hbm>> -> memref<128x128xf32, #tpu.memory_space<hbm>>
    tpu.wait_dma2 semaphore(%arg13 : memref<!tpu.dma_semaphore, #tpu.memory_space<semaphore_mem>>) src(%arg10 : memref<128x128xf32, #tpu.memory_space<vmem>>) dst(%dma_wait3A_87 : memref<128x128xf32, #tpu.memory_space<hbm>>)
    return
  }
}

</mosaic_0001>

<sc_bundles>
// kernel: wrapper.3.cloned.1.call-start
scs
__scs_entry_jumppad:
0x0: {  	(pc) =	sbr.rel $0x88, $3  }
0x1: {  	(tag) =	ssettag $0x0;
	lr =	simm.s32 $0x1  }
0x2: {  	[smem:$0x3F9F] =	sst lr;
	_ =	strace $0xD0000000  }
0x3: {  	_ = 	snop  }
0x4: {  	_ = 	snop  }
0x5: {  	_ = 	snop  }
0x6: {  	_ = 	snop  }
0x7: {  	_ = 	snop  }
__scs_overlays_trampoline_lowered:
0x8: {  	[smem:$0x3FAE] =	sst s0  }
0x9: {  	[smem:$0x3FAF] =	sst s1  }
0xa: {  	[smem:$0x3FB0] =	sst s2  }
0xb: {  	[smem:$0x3FB1] =	sst s3  }
0xc: {  	[smem:$0x3FB2] =	sst s4  }
0xd: {  	[smem:$0x3FB3] =	sst s5  }
0xe: {  	[smem:$0x3FB4] =	sst s6  }
0xf: {  	[smem:$0x3FB5] =	sst s7  }
0x10: {  	[smem:$0x3FB6] =	sst s8  }
0x11: {  	[smem:$0x3FB7] =	sst s9;
	s0 =	simm.s32 @!p0 $0x0  }
0x12: {  	s1 =	sld [smem:$0x3F9D];
	s0 =	simm.s32 @p0 $0x1  }
0x13: {  	[smem:$0x3FB8] =	sst s0;
	s0 =	simm.s32 @!p1 $0x0  }
0x14: {  	s2 =	sld [smem:$0x3F9C];
	s0 =	simm.s32 @p1 $0x1  }
0x15: {  	[smem:$0x3FB9] =	sst s0;
	s0 =	simm.s32 @!p2 $0x0  }
0x16: {  	s3 =	sld [smem:$0x3FDB];
	s0 =	simm.s32 @p2 $0x1  }
0x17: {  	s4 =	simm.s32 $0x1BF5;
	[smem:$0x3FBB] =	sst s0  }
0x18: {  	s0 =	sld [smem:$0x3F9E];
	_ =	swait.ge [sflag:s4], $0x0  }
0x19: {  	s7 =	sld [smem:$0x3F9F]  }
0x1a: {  	s8 =	sadd.s32 $0xFFFFE003, lr  }
0x1b: {  	s9 =	sadd.s32 $0xFFFFFEF7, lr;
	s5 =	simm.s32 $0xFFFFFFFF;
	p2 =	slt.u32 s8, $0xFFFFF086  }
0x1c: {  	p1 =	slt.u32 s9, $0xF7A;
	s5 =	simm.s32 @!p2 $0x0  }
0x1d: {  	s5 =	simm.s32 @p1 $0x1;
	p0 =	seq.s32 s7, s2  }
0x1e: {  	s7 =	smul.u32 @!p0 $0xF7A, s2;
	p2 =	seq.s32 @!p0 s5, $0x0  }
0x1f: {  	s9 =	smul.u32 $0xF7A, s1;
	s8 =	simm.s32 @!p0 $0x1BF5;
	p2 =	por !p2, p0  }
0x20: {  	[sflag:s8] =	ssyncset.s32 @!p0 $0xFFFFF086;
	s6 =	sadd.s32 @!p0 s3, s7;
	s7 =	simm.s32 @!p0 $0x108  }
0x21: {  	s3 =	sadd.s32 s3, s9;
	s6 =	sadd.s32 @!p0 $0x88, s6;
	s7 =	simm.s32 @p2 $0x1082  }
0x22: {  	[simem:s7], [sflag:s8] =	dma.local @!p0 [hbm:s6], $0xF7A  }
0x23: {  	s9 =	sor.u32 $0xD0000000, s2;
	s6 =	simm.s32 $0x108;
	_ =	swait.ge @!p0 [sflag:s8], $0x0  }
0x24: {  	s3 =	sadd.s32 $0x88, s3;
	s6 =	simm.s32 @!p1 $0x1082;
	[sflag:s4] =	ssyncset.s32 $0xFFFFF086  }
0x25: {  	[simem:s6], [sflag:s4] =	dma.local [hbm:s3], $0xF7A  }
0x26: {  	[smem:$0x3F9F] =	sst s1;
	(tag) =	ssettag s2;
	_ =	strace s9  }
0x27: {  	s1 =	sld [smem:$0x3FAF]  }
0x28: {  	s2 =	sld [smem:$0x3FB0]  }
0x29: {  	s4 =	sld [smem:$0x3FB2]  }
0x2a: {  	p0 =	seq.s32 s5, $0x0;
	s5 =	sld [smem:$0x3FB3]  }
0x2b: {  	s6 =	sld [smem:$0x3FB4]  }
0x2c: {  	s7 =	sld [smem:$0x3FB5]  }
0x2d: {  	s3 =	simm.s32 $0x108;
	s8 =	sld [smem:$0x3FB6]  }
0x2e: {  	s3 =	simm.s32 @!p0 $0x1082;
	s9 =	sld [smem:$0x3FB7]  }
0x2f: {  	lr =	sadd.s32 s0, s3;
	s0 =	sld [smem:$0x3FAE]  }
0x30: {  	s3 =	sld [smem:$0x3FB1]  }
0x31: {  	[smem:$0x3FBA] =	sst s10  }
0x32: {  	s10 =	sld [smem:$0x3FB8];
	_ =	sdelay $0x3  }
0x33: {  	p0 =	seq.s32 s10, $0x1;
	s10 =	sld [smem:$0x3FBA];
	_ =	sdelay $0x3  }
0x34: {  	[smem:$0x3FBA] =	sst s10  }
0x35: {  	s10 =	sld [smem:$0x3FB9];
	_ =	sdelay $0x3  }
0x36: {  	p1 =	seq.s32 s10, $0x1;
	s10 =	sld [smem:$0x3FBA];
	_ =	sdelay $0x3  }
0x37: {  	[smem:$0x3FBA] =	sst s10  }
0x38: {  	s10 =	sld [smem:$0x3FBB]  }
0x39: {  	_ = 	snop;
	(pc) =	sbr.ind lr, $3  }
0x3a: {  	_ = 	snop  }
0x3b: {  	_ = 	snop  }
0x3c: {  	p2 =	seq.s32 s10, $0x1;
	s10 =	sld [smem:$0x3FBA]  }
0x3d: {  	_ =	shalt  }
0x3e: {  	_ =	shalt  }
0x3f: {  	_ =	shalt  }
0x40: {  	_ =	shalt  }
0x41: {  	_ =	shalt  }
0x42: {  	_ =	shalt  }
0x43: {  	_ =	shalt  }
0x44: {  	_ =	shalt  }
0x45: {  	_ =	shalt  }
0x46: {  	_ =	shalt  }
0x47: {  	_ =	shalt  }
0x48: {  	_ =	shalt  }
0x49: {  	_ =	shalt  }
0x4a: {  	_ =	shalt  }
0x4b: {  	_ =	shalt  }
0x4c: {  	_ =	shalt  }
0x4d: {  	_ =	shalt  }
0x4e: {  	_ =	shalt  }
0x4f: {  	_ =	shalt  }
0x50: {  	_ =	shalt  }
0x51: {  	_ =	shalt  }
0x52: {  	_ =	shalt  }
0x53: {  	_ =	shalt  }
0x54: {  	_ =	shalt  }
0x55: {  	_ =	shalt  }
0x56: {  	_ =	shalt  }
0x57: {  	_ =	shalt  }
0x58: {  	_ =	shalt  }
0x59: {  	_ =	shalt  }
0x5a: {  	_ =	shalt  }
0x5b: {  	_ =	shalt  }
0x5c: {  	_ =	shalt  }
0x5d: {  	_ =	shalt  }
0x5e: {  	_ =	shalt  }
0x5f: {  	_ =	shalt  }
0x60: {  	_ =	shalt  }
0x61: {  	_ =	shalt  }
0x62: {  	_ =	shalt  }
0x63: {  	_ =	shalt  }
0x64: {  	_ =	shalt  }
0x65: {  	_ =	shalt  }
0x66: {  	_ =	shalt  }
0x67: {  	_ =	shalt  }
0x68: {  	_ =	shalt  }
0x69: {  	_ =	shalt  }
0x6a: {  	_ =	shalt  }
0x6b: {  	_ =	shalt  }
0x6c: {  	_ =	shalt  }
0x6d: {  	_ =	shalt  }
0x6e: {  	_ =	shalt  }
0x6f: {  	_ =	shalt  }
0x70: {  	_ =	shalt  }
0x71: {  	_ =	shalt  }
0x72: {  	_ =	shalt  }
0x73: {  	_ =	shalt  }
0x74: {  	_ =	shalt  }
0x75: {  	_ =	shalt  }
0x76: {  	_ =	shalt  }
0x77: {  	_ =	shalt  }
0x78: {  	_ =	shalt  }
0x79: {  	_ =	shalt  }
0x7a: {  	_ =	shalt  }
0x7b: {  	_ =	shalt  }
0x7c: {  	_ =	shalt  }
0x7d: {  	_ =	shalt  }
0x7e: {  	_ =	shalt  }
0x7f: {  	_ =	shalt  }
0x80: {  	_ =	shalt  }
0x81: {  	_ =	shalt  }
0x82: {  	_ =	shalt  }
0x83: {  	_ =	shalt  }
0x84: {  	_ =	shalt  }
0x85: {  	_ =	shalt  }
0x86: {  	_ =	shalt  }
0x87: {  	_ =	shalt  }
.Lfunc_end0:
.L_simem_size_0:
called_computation_lowered:
.L_overlay_start_0:
0x88: {  	s2 =	sld [smem:$0x3FD9]  }
0x89: {  	s3 =	sld [smem:$0x3FFE];
	_ =	sdelay $0x1  }
0x8a: {  	s1 =	srdreg.scid  }
0x8b: {  	s0 =	sand.u32 $0x1, s1  }
0x8c: {  	s18 =	sshll.u32 s0, $0xA;
	s2 =	sadd.s32 s3, s2  }
0x8d: {  	s2 =	sadd.s32 s2, s18  }
0x8e: {  	[smem:$0x3FC6] =	sst s2  }
0x8f: {  	_ = 	snop  }
0x90: {  	s2 =	sld [smem:$0x3FC9]  }
0x91: {  	s19 =	sld [smem:$0x3FC8]  }
0x92: {  	s4 =	sld [smem:$0x3FD0];
	(tm) =	ssettm $0x1  }
0x93: {  	s5 =	sld [smem:$0x3FFB];
	_ =	sdelay $0x3  }
0x94: {  	_ =	strace s5  }
0x95: {  	s5 =	sld [smem:$0x3FFC];
	_ =	sdelay $0x3  }
0x96: {  	_ =	strace s5  }
0x97: {  	s5 =	sld [smem:$0x3FFD];
	_ =	sdelay $0x3  }
0x98: {  	_ =	strace s5  }
0x99: {  	_ =	strace $0x8FFFFFFF  }
0x9a: {  	s20 =	sld [smem:$0x3FDB];
	_ =	sdelay $0x1  }
0x9b: {  	s6 =	simm.s32 $_scs_section_size  }
0x9c: {  	s7 =	simm.s32 $_size__tile_overlayer_lowered;
	s8 =	simm.s32 $_tile_overlayer_lowered  }
0x9d: {  	s23 =	simm.s32 $0x1BFF;
	s22 =	sshll.u32 s8, $0x1;
	s5 =	sadd.s32 s6, s20  }
0x9e: {  	s9 =	simm.s32 $0x0;
	s21 =	sshll.u32 s7, $0x1;
	s7 =	sadd.s32 s22, s5  }
0x9f: {  	[timem:s9], [sflag:s23] =	dma.local [hbm:s7], s21  }
0xa0: {  	_ =	swait.ge [sflag:s23], s21  }
0xa1: {  	s6 =	ssub.s32 $0x0, s21;
	[sflag:s23] =	ssyncset.done $0x0  }
0xa2: {  	[sflag:s23] =	ssyncadd.s32 s6;
	_ =	sdelay $0x1  }
0xa3: {  	s24 =	simm.s32 $0x1B8B  }
0xa4: {  	_ =	swait.ge [sflag:s24], $0x1  }
0xa5: {  	[sflag:s24] =	ssyncset.done $0x0  }
0xa6: {  	s25 =	simm.s32 $0x1B8E;
	[sflag:s24] =	ssyncadd.s32 $0xFFFFFFFF  }
0xa7: {  	s26 =	simm.s32 $execute0_lowered;
	[smem:$0x3FD2] =	sst s25  }
0xa8: {  	s6 =	sshll.u32 s26, $0x1;
	_ =	strace $0x80000046;
	[dreg:$0x1] =	wrdreg $0xFFFFFFFF  }
0xa9: {  	s28 =	simm.s32 $_size_execute0_lowered;
	s5 =	sadd.s32 s5, s6;
	[dreg:$0x0] =	wrdreg $0x0  }
0xaa: {  	s6 =	sshll.u32 s28, $0x1;
	[dreg:$0x2] =	wrdreg s5  }
0xab: {  	[dreg:$0x3] =	wrdreg s6  }
0xac: {  	[dreg:$0x4] =	wrdreg $0xC0  }
0xad: {  	_ =	task [dreg:s9], $0x5FFFF  }
0xae: {  	[dreg:$0x1] =	wrdreg $0xFFFFFFFF  }
0xaf: {  	[dreg:$0x0] =	wrdreg $0x60  }
0xb0: {  	[dreg:$0x2] =	wrdreg s2  }
0xb1: {  	[dreg:$0x3] =	wrdreg s19  }
0xb2: {  	[dreg:$0x4] =	wrdreg s4  }
0xb3: {  	[dreg:$0x5] =	wrdreg $0x0  }
0xb4: {  	[dreg:$0x6] =	wrdreg $0x9  }
0xb5: {  	_ =	task.clear_ibuf [dreg:s9], $0x7FFFF;
	_ =	strace $0x90000046  }
0xb6: {  	s29 =	simm.s32 $0x9;
	_ =	strace $0x80000048  }
0xb7: {  	_ =	swait.ge [sflag:s29], $0x1  }
0xb8: {  	[sflag:s29] =	ssyncadd.s32 $0xFFFFFFFF  }
0xb9: {  	_ =	strace $0x90000048  }
0xba: {  	_ =	sfence  }
0xbb: {  	s30 =	sld [smem:$0x0];
	_ =	sdelay $0x2  }
0xbc: {  	s31 =	sshll.u32 s1, $0xD;
	s1 =	sshrl.u32 s1, $0x2  }
0xbd: {  	s3 =	sand.u32 $0x4000, s31;
	s1 =	sadd.s32 s1, s30  }
0xbe: {  	s0 =	sor.u32 s3, s0;
	s1 =	sshll.u32 s1, $0x11  }
0xbf: {  	s0 =	sor.u32 s1, s0  }
0xc0: {  	s0 =	sadd.s32 $0x8F2B, s0  }
0xc1: {  	[sflag:s0] =	ssyncadd.remote.s32 $0x1  }
0xc2: {  	_ =	sfence.sel $0xFFFF  }
0xc3: {  	[dreg:$0x0] =	wrdreg $0xFFFFFFFF;
	(pc) =	sbr.abs _section_cstart, $3  }
0xc4: {  	[dreg:$0x1] =	wrdreg $0xFFFFFFFF  }
0xc5: {  	_ =	task.clear_ibuf [dreg:s9], $0x2FFFF;
	_ =	strace $0x9FFFFFFF  }
0xc6: {  	(tm) =	ssettm $0x7FFFFFFF  }
0xc7: {  	_ =	shalt  }
tec
execute0_lowered:
.L_overlay_start_1:
0x0: {  	(tag) =	ssettag $0x1  }
0x1: {  	s4 =	rddreg [dreg:$0x0]  }
0x2: {  	s5 =	rddreg [dreg:$0x1]  }
0x3: {  	s20 =	rddreg [dreg:$0x2]  }
0x4: {  	s2 =	rddreg [dreg:$0x3];
	s3 =	srdreg.scid  }
0x5: {  	s0 =	rddreg [dreg:$0x4];
	s1 =	stileid.u32;
	s25 =	sand.u32 $0x1, s3  }
0x6: {  	s3 =	simm.s32 $0x0;
	s6 =	sshll.u32 s1, $0xA;
	s30 =	sshll.u32 s1, $0x6  }
0x7: {  	s7 =	sshll.u32 s25, $0x9;
	[smem:$0x7FF] =	sst s3;
	s8 =	smin.u32 s30, $0x3A8  }
0x8: {  	s21 =	sor.u32 s7, s6;
	_ =	strace $0x80000047;
	s31 =	sshll.u32 s8, $0x7  }
0x9: {  	s8 =	sshll.u32 s8, $0x4;
	s6 =	sor.u32 $0x1C04, s30;
	s7 =	sshrl.u32 s21, $0x3  }
0xa: {  	s9 =	sadd.s32 s31, s2;
	s5 =	sadd.s32 s5, s8;
	s4 =	sadd.s32 s4, s7  }
0xb: {  	s7 =	simm.s32 $0x1F40;
	s8 =	sshrl.u32 s9, $0x3;
	s9 =	simm.s32 $0x4  }
0xc: {  	[tilespmem:s7], [sflag:$0x1] =	stream.linear.gather [hbm4b:s4+s3], $0x200, $0x38;
	[tilespmem:$0x12140] =	vst v63  }
0xd: {  	[spmem:s8], [sflag:s6] =	dma.local [hbm:s5], $0x400  }
0xe: {  	_ =	swait.ge [sflag:s9], $0x400  }
0xf: {  	[sflag:s9] =	ssyncset.done $0x0  }
0x10: {  	s10 =	simm.s32 $0x1;
	[sflag:s9] =	ssyncadd.s32 $0xFFFFFC00  }
0x11: {  	_ =	swait.ge [sflag:s10], $0x200  }
0x12: {  	[sflag:s10] =	ssyncset.done $0x0  }
0x13: {  	[sflag:s10] =	ssyncadd.s32 $0xFFFFFE00  }
0x14: {  	s11 =	simm.s32 $0x80;
	s12 =	simm.s32 $0x2140;
	[bflag:$0x0] =	sbarrier.arrive $0xFFFF  }
0x15: {  	[tilespmem:s12], [sflag:$0x2] =	stream.indirect.gather [spmem:s2], $0x80, s7, s11, $0xb8;
	[tilespmem:$0x12140] =	vst v63  }
0x16: {  	s13 =	simm.s32 $0x1FC0;
	s14 =	simm.s32 $0x6140  }
0x17: {  	[tilespmem:s14], [sflag:$0x2] =	stream.indirect.gather [spmem:s2], $0x80, s13, s11, $0xb8;
	[tilespmem:$0x12140] =	vst v63  }
0x18: {  	s15 =	simm.s32 $0x2040;
	s16 =	simm.s32 $0xA140  }
0x19: {  	[tilespmem:s16], [sflag:$0x2] =	stream.indirect.gather [spmem:s2], $0x80, s15, s11, $0xb8;
	[tilespmem:$0x12140] =	vst v63  }
0x1a: {  	s17 =	simm.s32 $0x20C0;
	s18 =	simm.s32 $0xE140;
	s19 =	simm.s32 $0x2  }
0x1b: {  	[tilespmem:s18], [sflag:$0x2] =	stream.indirect.gather [spmem:s2], $0x80, s17, s11, $0xb8;
	[tilespmem:$0x12140] =	vst v63  }
0x1c: {  	_ =	swait.ge [sflag:s19], $0x4000  }
0x1d: {  	s21 =	sshll.u32 s21, $0x4;
	[sflag:s19] =	ssyncset.done $0x0  }
0x1e: {  	s20 =	sadd.s32 s20, s21;
	[sflag:s19] =	ssyncadd.s32 $0xFFFFC000  }
0x1f: {  	[hbm4b:s20+s3] =	stream.linear.scatter [tilespmem:s12], [sflag:$0x3], $0x4000, $0x38;
	[tilespmem:$0x12140] =	vst v63  }
0x20: {  	_ =	swait.ge [sflag:s19], $0x4000  }
0x21: {  	[sflag:s19] =	ssyncset.done $0x0  }
0x22: {  	s21 =	sadd.s32 $0x800, s20;
	[sflag:s19] =	ssyncadd.s32 $0xFFFFC000  }
0x23: {  	[hbm4b:s21+s3] =	stream.linear.scatter [tilespmem:s14], [sflag:$0x3], $0x4000, $0x38;
	[tilespmem:$0x12140] =	vst v63  }
0x24: {  	_ =	swait.ge [sflag:s19], $0x4000  }
0x25: {  	[sflag:s19] =	ssyncset.done $0x0  }
0x26: {  	s22 =	sadd.s32 $0x1000, s20;
	[sflag:s19] =	ssyncadd.s32 $0xFFFFC000  }
0x27: {  	[hbm4b:s22+s3] =	stream.linear.scatter [tilespmem:s16], [sflag:$0x3], $0x4000, $0x38;
	[tilespmem:$0x12140] =	vst v63  }
0x28: {  	_ =	swait.ge [sflag:s19], $0x4000  }
0x29: {  	[sflag:s19] =	ssyncset.done $0x0  }
0x2a: {  	s23 =	simm.s32 $0x3;
	s24 =	sadd.s32 $0x1800, s20;
	[sflag:s19] =	ssyncadd.s32 $0xFFFFC000  }
0x2b: {  	[hbm4b:s24+s3] =	stream.linear.scatter [tilespmem:s18], [sflag:$0x3], $0x4000, $0x38;
	[tilespmem:$0x12140] =	vst v63  }
0x2c: {  	_ =	swait.ge [sflag:s23], $0x4000  }
0x2d: {  	s25 =	ssub.s32 $0x2, s25;
	[sflag:s23] =	ssyncset.done $0x0  }
0x2e: {  	s26 =	sshrl.u32 s25, $0x1;
	[sflag:s23] =	ssyncadd.s32 $0xFFFFC000  }
0x2f: {  	s25 =	ssub.s32 s25, s26;
	_ =	swait.ge [sflag:s23], $0x4000  }
0x30: {  	s25 =	smax.u32 s25, $0x1;
	[sflag:s23] =	ssyncset.done $0x0  }
0x31: {  	p0 =	sne.s32 s25, $0x1;
	[sflag:s23] =	ssyncadd.s32 $0xFFFFC000  }
.Ltmp0:
0x32: {  	_ =	swait.ge [sflag:s23], $0x4000;
	(pc) =	sbr.rel @!p0 .LBB2_2-.Ltmp0, $4  }
0x33: {  	[sflag:s23] =	ssyncset.done $0x0  }
0x34: {  	[sflag:s23] =	ssyncadd.s32 $0xFFFFC000  }
0x35: {  	_ =	swait.ge [sflag:s23], $0x4000  }
0x36: {  	s25 =	sadd.s32 $0xFFFFFFFF, s25;
	[sflag:s23] =	ssyncset.done $0x0  }
.LBB2_1:
0x37: {  	p0 =	sne.s32 s25, $0x1;
	s25 =	sadd.s32 $0xFFFFFFFF, s25;
	[sflag:s23] =	ssyncadd.s32 $0xFFFFC000  }
0x38: {  	[tilespmem:s7], [sflag:$0x1] =	stream.linear.gather [hbm4b:s4+s3], $0x200, $0x38;
	[tilespmem:$0x12140] =	vst v63  }
0x39: {  	[spmem:s8], [sflag:s6] =	dma.local [hbm:s5], $0x400  }
0x3a: {  	_ =	swait.ge [sflag:s9], $0x400  }
0x3b: {  	[sflag:s9] =	ssyncset.done $0x0  }
0x3c: {  	[sflag:s9] =	ssyncadd.s32 $0xFFFFFC00  }
0x3d: {  	_ =	swait.ge [sflag:s10], $0x200  }
0x3e: {  	[sflag:s10] =	ssyncset.done $0x0  }
0x3f: {  	[sflag:s10] =	ssyncadd.s32 $0xFFFFFE00  }
0x40: {  	[bflag:$0x0] =	sbarrier.arrive $0xFFFF  }
0x41: {  	[tilespmem:s12], [sflag:$0x2] =	stream.indirect.gather [spmem:s2], $0x80, s7, s11, $0xb8;
	[tilespmem:$0x12140] =	vst v63  }
0x42: {  	_ = 	snop  }
0x43: {  	[tilespmem:s14], [sflag:$0x2] =	stream.indirect.gather [spmem:s2], $0x80, s13, s11, $0xb8;
	[tilespmem:$0x12140] =	vst v63  }
0x44: {  	_ = 	snop  }
0x45: {  	[tilespmem:s16], [sflag:$0x2] =	stream.indirect.gather [spmem:s2], $0x80, s15, s11, $0xb8;
	[tilespmem:$0x12140] =	vst v63  }
0x46: {  	_ = 	snop  }
0x47: {  	[tilespmem:s18], [sflag:$0x2] =	stream.indirect.gather [spmem:s2], $0x80, s17, s11, $0xb8;
	[tilespmem:$0x12140] =	vst v63  }
0x48: {  	_ =	swait.ge [sflag:s19], $0x4000  }
0x49: {  	[sflag:s19] =	ssyncset.done $0x0  }
0x4a: {  	[sflag:s19] =	ssyncadd.s32 $0xFFFFC000  }
0x4b: {  	[hbm4b:s20+s3] =	stream.linear.scatter [tilespmem:s12], [sflag:$0x3], $0x4000, $0x38;
	[tilespmem:$0x12140] =	vst v63  }
0x4c: {  	_ =	swait.ge [sflag:s19], $0x4000  }
0x4d: {  	[sflag:s19] =	ssyncset.done $0x0  }
0x4e: {  	[sflag:s19] =	ssyncadd.s32 $0xFFFFC000  }
0x4f: {  	[hbm4b:s21+s3] =	stream.linear.scatter [tilespmem:s14], [sflag:$0x3], $0x4000, $0x38;
	[tilespmem:$0x12140] =	vst v63  }
0x50: {  	_ =	swait.ge [sflag:s19], $0x4000  }
0x51: {  	[sflag:s19] =	ssyncset.done $0x0  }
0x52: {  	[sflag:s19] =	ssyncadd.s32 $0xFFFFC000  }
0x53: {  	[hbm4b:s22+s3] =	stream.linear.scatter [tilespmem:s16], [sflag:$0x3], $0x4000, $0x38;
	[tilespmem:$0x12140] =	vst v63  }
0x54: {  	_ =	swait.ge [sflag:s19], $0x4000  }
0x55: {  	[sflag:s19] =	ssyncset.done $0x0  }
0x56: {  	[sflag:s19] =	ssyncadd.s32 $0xFFFFC000  }
0x57: {  	[hbm4b:s24+s3] =	stream.linear.scatter [tilespmem:s18], [sflag:$0x3], $0x4000, $0x38;
	[tilespmem:$0x12140] =	vst v63  }
0x58: {  	_ =	swait.ge [sflag:s23], $0x4000  }
0x59: {  	[sflag:s23] =	ssyncset.done $0x0  }
0x5a: {  	[sflag:s23] =	ssyncadd.s32 $0xFFFFC000  }
0x5b: {  	_ =	swait.ge [sflag:s23], $0x4000  }
0x5c: {  	[sflag:s23] =	ssyncset.done $0x0  }
0x5d: {  	[sflag:s23] =	ssyncadd.s32 $0xFFFFC000  }
.Ltmp1:
0x5e: {  	_ =	swait.ge [sflag:s23], $0x4000;
	(pc) =	sbr.rel @p0 .LBB2_1-.Ltmp1, $4  }
0x5f: {  	[sflag:s23] =	ssyncset.done $0x0  }
0x60: {  	[sflag:s23] =	ssyncadd.s32 $0xFFFFC000  }
0x61: {  	_ =	swait.ge [sflag:s23], $0x4000  }
0x62: {  	[sflag:s23] =	ssyncset.done $0x0  }
.LBB2_2:
0x63: {  	[sflag:s23] =	ssyncadd.s32 $0xFFFFC000  }
0x64: {  	_ =	sfence.sel $0x180000  }
0x65: {  	[bflag:$0x0] =	sbarrier.arrive $0xFFFF  }
0x66: {  	p0 =	sne.s32 s1, $0x0;
	_ =	strace $0x90000047  }
0x67: {  	s0 =	sadd.s32 @!p0 $0x100000, s0;
	[bflag:$0x2] =	sbarrier.arrive $0xFFFF  }
0x68: {  	[sflag:s0] =	ssyncadd.tile.s32 @!p0 $0x1;
	_ =	shalt  }
.Lfunc_end2:
_tile_overlayer_lowered:
.L_overlay_start_2:
0x69: {  	(tag) =	ssettag $0x2  }
0x6a: {  	s0 =	rddreg [dreg:$0x0];
	s2 =	stileid.u32  }
0x6b: {  	s1 =	rddreg [dreg:$0x1];
	p0 =	sne.s32 s2, $0x0  }
0x6c: {  	s3 =	rddreg [dreg:$0x2];
	[bflag:$0x3] =	sbarrier.arrive $0xFFFF;
	s2 =	simm.s32 @!p0 $0x1C04  }
0x6d: {  	[timem:s3], [sflag:s2] =	dma.local @!p0 [hbm:s0], s1  }
0x6e: {  	s0 =	simm.s32 @!p0 $0x4  }
0x6f: {  	_ =	swait.ge @!p0 [sflag:s0], s1  }
0x70: {  	s1 =	ssub.s32 @!p0 $0x0, s1;
	[sflag:s0] =	ssyncset.done @!p0 $0x0  }
0x71: {  	[sflag:s0] =	ssyncadd.s32 @!p0 s1  }
0x72: {  	[bflag:$0x3] =	sbarrier.arrive $0xFFFF  }
0x73: {  	_ =	shalt  }

</sc_bundles>
